<compile_context>
chip_gen: v7x
topology: tpu7x:2x2x1
jax: 0.10.2.dev20260603
libtpu: 0.0.44.dev20260713+nightly
codegen_flags: <defaults>
</compile_context>

<pallas_src>
import functools

import jax
import jax.numpy as jnp
from jax import lax
from jax.experimental import pallas as pl
from jax.experimental.pallas import tpu as pltpu
from jax.experimental.pallas import tpu_sc as plsc


def _make_gather(n_batch: int, seq_pad: int, dim_pad: int, n_workers: int,
                 nbuf: int):
    batch_per_w = n_batch // n_workers
    idx_per_w = batch_per_w * seq_pad
    mesh = plsc.VectorSubcoreMesh(core_axis_name="c", subcore_axis_name="s")
    num_cores = mesh.num_cores

    @functools.partial(
        pl.kernel,
        out_type=jax.ShapeDtypeStruct((n_batch, seq_pad, dim_pad),
                                      jnp.float32),
        mesh=mesh,
        scratch_types=[
            pltpu.VMEM((idx_per_w,), jnp.int32),
            pltpu.VMEM((nbuf, seq_pad, dim_pad), jnp.float32),
            pltpu.SemaphoreType.DMA,
            pltpu.SemaphoreType.DMA,
        ],
    )
    def gather_kernel(table_hbm, idx_hbm, x_hbm, idx_v, rows_v, gsem, ssem):
        wid = lax.axis_index("s") * num_cores + lax.axis_index("c")
        wb = wid * batch_per_w
        pltpu.sync_copy(idx_hbm.at[pl.ds(wid * idx_per_w, idx_per_w)], idx_v)

        def start_gather(g):
            pltpu.async_copy(
                table_hbm.at[idx_v.at[pl.ds(g * seq_pad, seq_pad)]],
                rows_v.at[g % nbuf], gsem)

        def wait_gather(g):
            pltpu.make_async_copy(
                table_hbm.at[idx_v.at[pl.ds(g * seq_pad, seq_pad)]],
                rows_v.at[g % nbuf], gsem).wait()

        def start_store(g):
            pltpu.async_copy(rows_v.at[g % nbuf], x_hbm.at[wb + g], ssem)

        def wait_store(g):
            pltpu.make_async_copy(rows_v.at[g % nbuf], x_hbm.at[wb + g],
                                  ssem).wait()

        for b in range(nbuf - 1):
            start_gather(b)

        def body(g, _):
            @pl.when(g > 0)
            def _():
                wait_store(g - 1)

            @pl.when(g + nbuf - 1 < batch_per_w)
            def _():
                start_gather(g + nbuf - 1)

            wait_gather(g)
            start_store(g)
            return 0

        lax.fori_loop(0, batch_per_w, body, 0)
        wait_store(batch_per_w - 1)

    return gather_kernel


def kernel(idx, table):
    b, t = idx.shape
    vocab, dim = table.shape
    seq_pad = 56
    dim_pad = 1024
    n_workers = 32
    nbuf = 2
    idx_i32 = idx.astype(jnp.int32)
    idx_pad = jnp.concatenate(
        [idx_i32, jnp.broadcast_to(idx_i32[:, -1:], (b, seq_pad - t))],
        axis=1).reshape(b * seq_pad)
    table_pad = jnp.pad(table, ((0, 0), (0, dim_pad - dim)))
    fn = _make_gather(b, seq_pad, dim_pad, n_workers, nbuf)
    x = fn(table_pad, idx_pad)
    return x[:, :t, :dim]

# --- scband reference (transcript-rebuilt; emitter-appended) ---
"""Pipeline reference for scband-bigram-language-model-18253611008578 (READ-ONLY COPY).

The authoritative reference and input builder live on the scoring server;
editing this copy changes nothing except your own understanding.
"""

import jax, jax.numpy as jnp
import numpy as np

VOCAB = 1000
B = 1024
T = 50

def setup_inputs(seed: int = 0) -> dict:
    key = jax.random.key(seed)
    k_idx, k_tab = jax.random.split(key)
    idx = jax.random.randint(k_idx, (B, T), 0, VOCAB, dtype=jnp.int64 if jax.config.jax_enable_x64 else jnp.int32)
    # learned parameter: token_embedding_table of shape [vocab_size, vocab_size]
    table = jax.random.normal(k_tab, (VOCAB, VOCAB), dtype=jnp.float32) * 0.02
    return {"idx": idx, "table": table}

def reference(idx, table):
    # BigramLanguageModel.forward with targets=None:
    #   logits = self.token_embedding_table(idx)  -> gather rows of table
    #   return (logits, None)
    logits = jnp.take(table, idx, axis=0)  # [B, T, vocab]
    return logits

if __name__ == "__main__":
    import jax
    _d = setup_inputs()
    print(jax.jit(kernel)(*tuple(_d.values())))

</pallas_src>

<mosaic_0001>
#map = affine_map<(d0, d1) -> (0, 0)>
#map1 = affine_map<(d0, d1) -> (0)>
#map2 = affine_map<(d0, d1) -> (0, 0, 0)>
module attributes {stable_mosaic.version = 14 : i64} {
  func.func @gather_kernel(%arg0: i32, %arg1: i32, %arg2: memref<1000x1024xf32, #tpu.memory_space<hbm>>, %arg3: memref<57344xi32, #tpu.memory_space<hbm>>, %arg4: memref<1024x56x1024xf32, #tpu.memory_space<hbm>>, %arg5: memref<1792xi32, #tpu.memory_space<vmem>>, %arg6: memref<2x56x1024xf32, #tpu.memory_space<vmem>>, %arg7: memref<!tpu.dma_semaphore, #tpu.memory_space<semaphore_mem>>, %arg8: memref<!tpu.dma_semaphore, #tpu.memory_space<semaphore_mem>>) attributes {dimension_semantics = [#tpu.dimension_semantics<core_parallel>, #tpu.dimension_semantics<subcore_parallel>], iteration_bounds = array<i64: 2, 16>, scalar_prefetch = 0 : i64, scratch_operands = 4 : i64, tpu.core_type = #tpu.core_type<sc_vector_subcore>, window_params = [{transform_indices = #map}, {transform_indices = #map1}, {transform_indices = #map2}]} {
    %mul3A = arith.constant 2 : i32
    %mul3A_0 = arith.muli %arg1, %mul3A : i32
    %add3A = arith.addi %mul3A_0, %arg0 : i32
    %mul3A_1 = arith.constant 32 : i32
    %mul3A_2 = arith.muli %add3A, %mul3A_1 : i32
    %mul3A_3 = arith.constant 1792 : i32
    %mul3A_4 = arith.muli %add3A, %mul3A_3 : i32
    "tpu.region"() ({
      %run_scoped3A = tpu.sem_alloc : memref<!tpu.dma_semaphore, #tpu.memory_space<semaphore_mem>>
      %dma_start3A_38 = tpu.memref_slice %arg3[%mul3A_4] : memref<57344xi32, #tpu.memory_space<hbm>> -> memref<1792xi32, #tpu.memory_space<hbm>>
      %dma_start3A_39 = tpu.memref_slice %arg3[%mul3A_4] : memref<57344xi32, #tpu.memory_space<hbm>> -> memref<1792xi32, #tpu.memory_space<hbm>>
      tpu.enqueue_dma source(%dma_start3A_39 : memref<1792xi32, #tpu.memory_space<hbm>>) target(%arg5 : memref<1792xi32, #tpu.memory_space<vmem>>) target_semaphore(%run_scoped3A : memref<!tpu.dma_semaphore, #tpu.memory_space<semaphore_mem>>)
      %dma_wait3A_40 = tpu.memref_slice %arg3[%mul3A_4] : memref<57344xi32, #tpu.memory_space<hbm>> -> memref<1792xi32, #tpu.memory_space<hbm>>
      %dma_wait3A_41 = tpu.memref_slice %arg3[%mul3A_4] : memref<57344xi32, #tpu.memory_space<hbm>> -> memref<1792xi32, #tpu.memory_space<hbm>>
      tpu.wait_dma2 semaphore(%run_scoped3A : memref<!tpu.dma_semaphore, #tpu.memory_space<semaphore_mem>>) src(%dma_wait3A_41 : memref<1792xi32, #tpu.memory_space<hbm>>) dst(%arg5 : memref<1792xi32, #tpu.memory_space<vmem>>)
      tpu.yield
    }) : () -> ()
    %dma_start3A = arith.constant 0 : i32
    %dma_start3A_5 = arith.constant 0 : i32
    %dma_start3A_6 = arith.constant 0 : i32
    %dma_start3A_7 = tpu.memref_slice %arg6[%dma_start3A, %dma_start3A_5, %dma_start3A_6] : memref<2x56x1024xf32, #tpu.memory_space<vmem>> -> memref<1x56x1024xf32, #tpu.memory_space<vmem>>
    %dma_start3A_8 = tpu.memref_squeeze %dma_start3A_7 : memref<1x56x1024xf32, #tpu.memory_space<vmem>> -> memref<56x1024xf32, #tpu.memory_space<vmem>>
    %dma_start3A_9 = arith.constant 0 : i32
    %dma_start3A_10 = tpu.memref_slice %arg5[%dma_start3A_9] : memref<1792xi32, #tpu.memory_space<vmem>> -> memref<56xi32, #tpu.memory_space<vmem>>
    %dma_start3A_11 = arith.constant 0 : i32
    %dma_start3A_12 = arith.constant 0 : i32
    %dma_start3A_13 = tpu.memref_slice %arg2[%dma_start3A_11, %dma_start3A_12] : memref<1000x1024xf32, #tpu.memory_space<hbm>> -> memref<1000x1024xf32, #tpu.memory_space<hbm>>
    tpu.enqueue_indirect_dma source(%dma_start3A_13 : memref<1000x1024xf32, #tpu.memory_space<hbm>>) target(%dma_start3A_8 : memref<56x1024xf32, #tpu.memory_space<vmem>>) offsets(%dma_start3A_10 : memref<56xi32, #tpu.memory_space<vmem>>) semaphore(%arg7 : memref<!tpu.dma_semaphore, #tpu.memory_space<semaphore_mem>>)
    %scan3A = arith.constant 0 : i32
    %scan3A_14 = arith.constant 0 : i32
    %scan3A_15 = arith.constant 32 : i32
    %scan3A_16 = arith.addi %scan3A_14, %scan3A_15 : i32
    %scan3A_17 = arith.constant 1 : i32
    %scan3A_18 = scf.for %scan3A_38 = %scan3A_14 to %scan3A_16 step %scan3A_17 iter_args(%scan3A_39 = %scan3A) -> (i32)  : i32 {
      %gt3A = arith.constant 0 : i32
      %gt3A_40 = arith.cmpi sgt, %scan3A_38, %gt3A : i32
      %convert_element_type3A = arith.extui %gt3A_40 : i1 to i32
      %cond3A = arith.constant 0 : i32
      %cond3A_41 = arith.cmpi ne, %convert_element_type3A, %cond3A : i32
      scf.if %cond3A_41 {
        %sub3A_103 = arith.constant 1 : i32
        %sub3A_104 = arith.subi %scan3A_38, %sub3A_103 : i32
        %jit3A_105 = arith.constant 2 : i32
        %eq3A_106 = arith.constant 0 : i32
        %eq3A_107 = arith.cmpi eq, %jit3A_105, %eq3A_106 : i32
        %jit3A_108 = arith.constant 1 : i32
        %select_n3A_109 = arith.select %eq3A_107, %jit3A_108, %jit3A_105 : i32
        %rem3A_110 = arith.remsi %sub3A_104, %select_n3A_109 : i32
        %ne3A_111 = arith.constant 0 : i32
        %ne3A_112 = arith.cmpi ne, %rem3A_110, %ne3A_111 : i32
        %lt3A_113 = arith.constant 0 : i32
        %lt3A_114 = arith.cmpi slt, %rem3A_110, %lt3A_113 : i32
        %lt3A_115 = arith.constant 0 : i32
        %lt3A_116 = arith.cmpi slt, %select_n3A_109, %lt3A_115 : i32
        %ne3A_117 = arith.xori %lt3A_114, %lt3A_116 : i1
        %and3A_118 = arith.andi %ne3A_117, %ne3A_112 : i1
        %add3A_119 = arith.addi %rem3A_110, %select_n3A_109 : i32
        %select_n3A_120 = arith.select %and3A_118, %add3A_119, %rem3A_110 : i32
        %add3A_121 = arith.addi %mul3A_2, %sub3A_104 : i32
        %dma_wait3A_122 = arith.constant 0 : i32
        %dma_wait3A_123 = arith.constant 0 : i32
        %dma_wait3A_124 = tpu.memref_slice %arg6[%select_n3A_120, %dma_wait3A_122, %dma_wait3A_123] : memref<2x56x1024xf32, #tpu.memory_space<vmem>> -> memref<1x56x1024xf32, #tpu.memory_space<vmem>>
        %dma_wait3A_125 = tpu.memref_squeeze %dma_wait3A_124 : memref<1x56x1024xf32, #tpu.memory_space<vmem>> -> memref<56x1024xf32, #tpu.memory_space<vmem>>
        %dma_wait3A_126 = arith.constant 0 : i32
        %dma_wait3A_127 = arith.constant 0 : i32
        %dma_wait3A_128 = tpu.memref_slice %arg4[%add3A_121, %dma_wait3A_126, %dma_wait3A_127] : memref<1024x56x1024xf32, #tpu.memory_space<hbm>> -> memref<1x56x1024xf32, #tpu.memory_space<hbm>>
        %dma_wait3A_129 = tpu.memref_squeeze %dma_wait3A_128 : memref<1x56x1024xf32, #tpu.memory_space<hbm>> -> memref<56x1024xf32, #tpu.memory_space<hbm>>
        %dma_wait3A_130 = arith.constant 0 : i32
        %dma_wait3A_131 = arith.constant 0 : i32
        %dma_wait3A_132 = tpu.memref_slice %arg4[%add3A_121, %dma_wait3A_130, %dma_wait3A_131] : memref<1024x56x1024xf32, #tpu.memory_space<hbm>> -> memref<1x56x1024xf32, #tpu.memory_space<hbm>>
        %dma_wait3A_133 = tpu.memref_squeeze %dma_wait3A_132 : memref<1x56x1024xf32, #tpu.memory_space<hbm>> -> memref<56x1024xf32, #tpu.memory_space<hbm>>
        %dma_wait3A_134 = arith.constant 0 : i32
        %dma_wait3A_135 = arith.constant 0 : i32
        %dma_wait3A_136 = tpu.memref_slice %arg6[%select_n3A_120, %dma_wait3A_134, %dma_wait3A_135] : memref<2x56x1024xf32, #tpu.memory_space<vmem>> -> memref<1x56x1024xf32, #tpu.memory_space<vmem>>
        %dma_wait3A_137 = tpu.memref_squeeze %dma_wait3A_136 : memref<1x56x1024xf32, #tpu.memory_space<vmem>> -> memref<56x1024xf32, #tpu.memory_space<vmem>>
        tpu.wait_dma2 semaphore(%arg8 : memref<!tpu.dma_semaphore, #tpu.memory_space<semaphore_mem>>) src(%dma_wait3A_137 : memref<56x1024xf32, #tpu.memory_space<vmem>>) dst(%dma_wait3A_133 : memref<56x1024xf32, #tpu.memory_space<hbm>>)
      } else {
      }
      %add3A_42 = arith.constant 2 : i32
      %add3A_43 = arith.addi %scan3A_38, %add3A_42 : i32
      %sub3A = arith.constant 1 : i32
      %sub3A_44 = arith.subi %add3A_43, %sub3A : i32
      %lt3A = arith.constant 32 : i32
      %lt3A_45 = arith.cmpi slt, %sub3A_44, %lt3A : i32
      %convert_element_type3A_46 = arith.extui %lt3A_45 : i1 to i32
      %cond3A_47 = arith.constant 0 : i32
      %cond3A_48 = arith.cmpi ne, %convert_element_type3A_46, %cond3A_47 : i32
      scf.if %cond3A_48 {
        %add3A_103 = arith.constant 2 : i32
        %add3A_104 = arith.addi %scan3A_38, %add3A_103 : i32
        %sub3A_105 = arith.constant 1 : i32
        %sub3A_106 = arith.subi %add3A_104, %sub3A_105 : i32
        %mul3A_107 = arith.constant 56 : i32
        %mul3A_108 = arith.muli %sub3A_106, %mul3A_107 : i32
        %jit3A_109 = arith.constant 2 : i32
        %eq3A_110 = arith.constant 0 : i32
        %eq3A_111 = arith.cmpi eq, %jit3A_109, %eq3A_110 : i32
        %jit3A_112 = arith.constant 1 : i32
        %select_n3A_113 = arith.select %eq3A_111, %jit3A_112, %jit3A_109 : i32
        %rem3A_114 = arith.remsi %sub3A_106, %select_n3A_113 : i32
        %ne3A_115 = arith.constant 0 : i32
        %ne3A_116 = arith.cmpi ne, %rem3A_114, %ne3A_115 : i32
        %lt3A_117 = arith.constant 0 : i32
        %lt3A_118 = arith.cmpi slt, %rem3A_114, %lt3A_117 : i32
        %lt3A_119 = arith.constant 0 : i32
        %lt3A_120 = arith.cmpi slt, %select_n3A_113, %lt3A_119 : i32
        %ne3A_121 = arith.xori %lt3A_118, %lt3A_120 : i1
        %and3A_122 = arith.andi %ne3A_121, %ne3A_116 : i1
        %add3A_123 = arith.addi %rem3A_114, %select_n3A_113 : i32
        %select_n3A_124 = arith.select %and3A_122, %add3A_123, %rem3A_114 : i32
        %dma_start3A_125 = arith.constant 0 : i32
        %dma_start3A_126 = arith.constant 0 : i32
        %dma_start3A_127 = tpu.memref_slice %arg6[%select_n3A_124, %dma_start3A_125, %dma_start3A_126] : memref<2x56x1024xf32, #tpu.memory_space<vmem>> -> memref<1x56x1024xf32, #tpu.memory_space<vmem>>
        %dma_start3A_128 = tpu.memref_squeeze %dma_start3A_127 : memref<1x56x1024xf32, #tpu.memory_space<vmem>> -> memref<56x1024xf32, #tpu.memory_space<vmem>>
        %dma_start3A_129 = tpu.memref_slice %arg5[%mul3A_108] : memref<1792xi32, #tpu.memory_space<vmem>> -> memref<56xi32, #tpu.memory_space<vmem>>
        %dma_start3A_130 = arith.constant 0 : i32
        %dma_start3A_131 = arith.constant 0 : i32
        %dma_start3A_132 = tpu.memref_slice %arg2[%dma_start3A_130, %dma_start3A_131] : memref<1000x1024xf32, #tpu.memory_space<hbm>> -> memref<1000x1024xf32, #tpu.memory_space<hbm>>
        tpu.enqueue_indirect_dma source(%dma_start3A_132 : memref<1000x1024xf32, #tpu.memory_space<hbm>>) target(%dma_start3A_128 : memref<56x1024xf32, #tpu.memory_space<vmem>>) offsets(%dma_start3A_129 : memref<56xi32, #tpu.memory_space<vmem>>) semaphore(%arg7 : memref<!tpu.dma_semaphore, #tpu.memory_space<semaphore_mem>>)
      } else {
      }
      %mul3A_49 = arith.constant 56 : i32
      %mul3A_50 = arith.muli %scan3A_38, %mul3A_49 : i32
      %jit3A = arith.constant 2 : i32
      %eq3A = arith.constant 0 : i32
      %eq3A_51 = arith.cmpi eq, %jit3A, %eq3A : i32
      %jit3A_52 = arith.constant 1 : i32
      %select_n3A = arith.select %eq3A_51, %jit3A_52, %jit3A : i32
      %rem3A = arith.remsi %scan3A_38, %select_n3A : i32
      %ne3A = arith.constant 0 : i32
      %ne3A_53 = arith.cmpi ne, %rem3A, %ne3A : i32
      %lt3A_54 = arith.constant 0 : i32
      %lt3A_55 = arith.cmpi slt, %rem3A, %lt3A_54 : i32
      %lt3A_56 = arith.constant 0 : i32
      %lt3A_57 = arith.cmpi slt, %select_n3A, %lt3A_56 : i32
      %ne3A_58 = arith.xori %lt3A_55, %lt3A_57 : i1
      %and3A = arith.andi %ne3A_58, %ne3A_53 : i1
      %add3A_59 = arith.addi %rem3A, %select_n3A : i32
      %select_n3A_60 = arith.select %and3A, %add3A_59, %rem3A : i32
      %dma_wait3A_61 = arith.constant 0 : i32
      %dma_wait3A_62 = arith.constant 0 : i32
      %dma_wait3A_63 = tpu.memref_slice %arg6[%select_n3A_60, %dma_wait3A_61, %dma_wait3A_62] : memref<2x56x1024xf32, #tpu.memory_space<vmem>> -> memref<1x56x1024xf32, #tpu.memory_space<vmem>>
      %dma_wait3A_64 = tpu.memref_squeeze %dma_wait3A_63 : memref<1x56x1024xf32, #tpu.memory_space<vmem>> -> memref<56x1024xf32, #tpu.memory_space<vmem>>
      %dma_wait3A_65 = tpu.memref_slice %arg5[%mul3A_50] : memref<1792xi32, #tpu.memory_space<vmem>> -> memref<56xi32, #tpu.memory_space<vmem>>
      %dma_wait3A_66 = arith.constant 0 : i32
      %dma_wait3A_67 = arith.constant 0 : i32
      %dma_wait3A_68 = tpu.memref_slice %arg2[%dma_wait3A_66, %dma_wait3A_67] : memref<1000x1024xf32, #tpu.memory_space<hbm>> -> memref<1000x1024xf32, #tpu.memory_space<hbm>>
      tpu.wait_indirect_dma semaphore(%arg7 : memref<!tpu.dma_semaphore, #tpu.memory_space<semaphore_mem>>) src(%dma_wait3A_68 : memref<1000x1024xf32, #tpu.memory_space<hbm>>) dst(%dma_wait3A_64 : memref<56x1024xf32, #tpu.memory_space<vmem>>)
      %jit3A_69 = arith.constant 2 : i32
      %eq3A_70 = arith.constant 0 : i32
      %eq3A_71 = arith.cmpi eq, %jit3A_69, %eq3A_70 : i32
      %jit3A_72 = arith.constant 1 : i32
      %select_n3A_73 = arith.select %eq3A_71, %jit3A_72, %jit3A_69 : i32
      %rem3A_74 = arith.remsi %scan3A_38, %select_n3A_73 : i32
      %ne3A_75 = arith.constant 0 : i32
      %ne3A_76 = arith.cmpi ne, %rem3A_74, %ne3A_75 : i32
      %lt3A_77 = arith.constant 0 : i32
      %lt3A_78 = arith.cmpi slt, %rem3A_74, %lt3A_77 : i32
      %lt3A_79 = arith.constant 0 : i32
      %lt3A_80 = arith.cmpi slt, %select_n3A_73, %lt3A_79 : i32
      %ne3A_81 = arith.xori %lt3A_78, %lt3A_80 : i1
      %and3A_82 = arith.andi %ne3A_81, %ne3A_76 : i1
      %add3A_83 = arith.addi %rem3A_74, %select_n3A_73 : i32
      %select_n3A_84 = arith.select %and3A_82, %add3A_83, %rem3A_74 : i32
      %add3A_85 = arith.addi %mul3A_2, %scan3A_38 : i32
      %dma_start3A_86 = arith.constant 0 : i32
      %dma_start3A_87 = arith.constant 0 : i32
      %dma_start3A_88 = tpu.memref_slice %arg6[%select_n3A_84, %dma_start3A_86, %dma_start3A_87] : memref<2x56x1024xf32, #tpu.memory_space<vmem>> -> memref<1x56x1024xf32, #tpu.memory_space<vmem>>
      %dma_start3A_89 = tpu.memref_squeeze %dma_start3A_88 : memref<1x56x1024xf32, #tpu.memory_space<vmem>> -> memref<56x1024xf32, #tpu.memory_space<vmem>>
      %dma_start3A_90 = arith.constant 0 : i32
      %dma_start3A_91 = arith.constant 0 : i32
      %dma_start3A_92 = tpu.memref_slice %arg4[%add3A_85, %dma_start3A_90, %dma_start3A_91] : memref<1024x56x1024xf32, #tpu.memory_space<hbm>> -> memref<1x56x1024xf32, #tpu.memory_space<hbm>>
      %dma_start3A_93 = tpu.memref_squeeze %dma_start3A_92 : memref<1x56x1024xf32, #tpu.memory_space<hbm>> -> memref<56x1024xf32, #tpu.memory_space<hbm>>
      %dma_start3A_94 = arith.constant 0 : i32
      %dma_start3A_95 = arith.constant 0 : i32
      %dma_start3A_96 = tpu.memref_slice %arg4[%add3A_85, %dma_start3A_94, %dma_start3A_95] : memref<1024x56x1024xf32, #tpu.memory_space<hbm>> -> memref<1x56x1024xf32, #tpu.memory_space<hbm>>
      %dma_start3A_97 = tpu.memref_squeeze %dma_start3A_96 : memref<1x56x1024xf32, #tpu.memory_space<hbm>> -> memref<56x1024xf32, #tpu.memory_space<hbm>>
      %dma_start3A_98 = arith.constant 0 : i32
      %dma_start3A_99 = arith.constant 0 : i32
      %dma_start3A_100 = tpu.memref_slice %arg6[%select_n3A_84, %dma_start3A_98, %dma_start3A_99] : memref<2x56x1024xf32, #tpu.memory_space<vmem>> -> memref<1x56x1024xf32, #tpu.memory_space<vmem>>
      %dma_start3A_101 = tpu.memref_squeeze %dma_start3A_100 : memref<1x56x1024xf32, #tpu.memory_space<vmem>> -> memref<56x1024xf32, #tpu.memory_space<vmem>>
      tpu.enqueue_dma source(%dma_start3A_101 : memref<56x1024xf32, #tpu.memory_space<vmem>>) target(%dma_start3A_97 : memref<56x1024xf32, #tpu.memory_space<hbm>>) target_semaphore(%arg8 : memref<!tpu.dma_semaphore, #tpu.memory_space<semaphore_mem>>)
      %scan3A_102 = arith.constant 0 : i32
      scf.yield %scan3A_102 : i32
    }
    %scan3A_19 = arith.constant 32 : i32
    %add3A_20 = arith.constant 31 : i32
    %add3A_21 = arith.addi %mul3A_2, %add3A_20 : i32
    %dma_wait3A = arith.constant 1 : i32
    %dma_wait3A_22 = arith.constant 0 : i32
    %dma_wait3A_23 = arith.constant 0 : i32
    %dma_wait3A_24 = tpu.memref_slice %arg6[%dma_wait3A, %dma_wait3A_22, %dma_wait3A_23] : memref<2x56x1024xf32, #tpu.memory_space<vmem>> -> memref<1x56x1024xf32, #tpu.memory_space<vmem>>
    %dma_wait3A_25 = tpu.memref_squeeze %dma_wait3A_24 : memref<1x56x1024xf32, #tpu.memory_space<vmem>> -> memref<56x1024xf32, #tpu.memory_space<vmem>>
    %dma_wait3A_26 = arith.constant 0 : i32
    %dma_wait3A_27 = arith.constant 0 : i32
    %dma_wait3A_28 = tpu.memref_slice %arg4[%add3A_21, %dma_wait3A_26, %dma_wait3A_27] : memref<1024x56x1024xf32, #tpu.memory_space<hbm>> -> memref<1x56x1024xf32, #tpu.memory_space<hbm>>
    %dma_wait3A_29 = tpu.memref_squeeze %dma_wait3A_28 : memref<1x56x1024xf32, #tpu.memory_space<hbm>> -> memref<56x1024xf32, #tpu.memory_space<hbm>>
    %dma_wait3A_30 = arith.constant 0 : i32
    %dma_wait3A_31 = arith.constant 0 : i32
    %dma_wait3A_32 = tpu.memref_slice %arg4[%add3A_21, %dma_wait3A_30, %dma_wait3A_31] : memref<1024x56x1024xf32, #tpu.memory_space<hbm>> -> memref<1x56x1024xf32, #tpu.memory_space<hbm>>
    %dma_wait3A_33 = tpu.memref_squeeze %dma_wait3A_32 : memref<1x56x1024xf32, #tpu.memory_space<hbm>> -> memref<56x1024xf32, #tpu.memory_space<hbm>>
    %dma_wait3A_34 = arith.constant 0 : i32
    %dma_wait3A_35 = arith.constant 0 : i32
    %dma_wait3A_36 = tpu.memref_slice %arg6[%dma_wait3A, %dma_wait3A_34, %dma_wait3A_35] : memref<2x56x1024xf32, #tpu.memory_space<vmem>> -> memref<1x56x1024xf32, #tpu.memory_space<vmem>>
    %dma_wait3A_37 = tpu.memref_squeeze %dma_wait3A_36 : memref<1x56x1024xf32, #tpu.memory_space<vmem>> -> memref<56x1024xf32, #tpu.memory_space<vmem>>
    tpu.wait_dma2 semaphore(%arg8 : memref<!tpu.dma_semaphore, #tpu.memory_space<semaphore_mem>>) src(%dma_wait3A_37 : memref<56x1024xf32, #tpu.memory_space<vmem>>) dst(%dma_wait3A_33 : memref<56x1024xf32, #tpu.memory_space<hbm>>)
    return
  }
}

</mosaic_0001>

<sc_bundles>
// kernel: kernel.3.cloned.1.call-start
scs
__scs_entry_jumppad:
0x0: {  	(pc) =	sbr.rel $0x88, $3  }
0x1: {  	(tag) =	ssettag $0x0;
	lr =	simm.s32 $0x1  }
0x2: {  	[smem:$0x3F9F] =	sst lr;
	_ =	strace $0xD0000000  }
0x3: {  	_ = 	snop  }
0x4: {  	_ = 	snop  }
0x5: {  	_ = 	snop  }
0x6: {  	_ = 	snop  }
0x7: {  	_ = 	snop  }
__scs_overlays_trampoline_lowered:
0x8: {  	[smem:$0x3FAE] =	sst s0  }
0x9: {  	[smem:$0x3FAF] =	sst s1  }
0xa: {  	[smem:$0x3FB0] =	sst s2  }
0xb: {  	[smem:$0x3FB1] =	sst s3  }
0xc: {  	[smem:$0x3FB2] =	sst s4  }
0xd: {  	[smem:$0x3FB3] =	sst s5  }
0xe: {  	[smem:$0x3FB4] =	sst s6  }
0xf: {  	[smem:$0x3FB5] =	sst s7  }
0x10: {  	[smem:$0x3FB6] =	sst s8  }
0x11: {  	[smem:$0x3FB7] =	sst s9;
	s0 =	simm.s32 @!p0 $0x0  }
0x12: {  	s1 =	sld [smem:$0x3F9D];
	s0 =	simm.s32 @p0 $0x1  }
0x13: {  	[smem:$0x3FB8] =	sst s0;
	s0 =	simm.s32 @!p1 $0x0  }
0x14: {  	s2 =	sld [smem:$0x3F9C];
	s0 =	simm.s32 @p1 $0x1  }
0x15: {  	[smem:$0x3FB9] =	sst s0;
	s0 =	simm.s32 @!p2 $0x0  }
0x16: {  	s3 =	sld [smem:$0x3FDB];
	s0 =	simm.s32 @p2 $0x1  }
0x17: {  	s4 =	simm.s32 $0x1BF5;
	[smem:$0x3FBB] =	sst s0  }
0x18: {  	s0 =	sld [smem:$0x3F9E];
	_ =	swait.ge [sflag:s4], $0x0  }
0x19: {  	s7 =	sld [smem:$0x3F9F]  }
0x1a: {  	s8 =	sadd.s32 $0xFFFFE003, lr  }
0x1b: {  	s9 =	sadd.s32 $0xFFFFFEF7, lr;
	s5 =	simm.s32 $0xFFFFFFFF;
	p2 =	slt.u32 s8, $0xFFFFF086  }
0x1c: {  	p1 =	slt.u32 s9, $0xF7A;
	s5 =	simm.s32 @!p2 $0x0  }
0x1d: {  	s5 =	simm.s32 @p1 $0x1;
	p0 =	seq.s32 s7, s2  }
0x1e: {  	s7 =	smul.u32 @!p0 $0xF7A, s2;
	p2 =	seq.s32 @!p0 s5, $0x0  }
0x1f: {  	s9 =	smul.u32 $0xF7A, s1;
	s8 =	simm.s32 @!p0 $0x1BF5;
	p2 =	por !p2, p0  }
0x20: {  	[sflag:s8] =	ssyncset.s32 @!p0 $0xFFFFF086;
	s6 =	sadd.s32 @!p0 s3, s7;
	s7 =	simm.s32 @!p0 $0x108  }
0x21: {  	s3 =	sadd.s32 s3, s9;
	s6 =	sadd.s32 @!p0 $0x88, s6;
	s7 =	simm.s32 @p2 $0x1082  }
0x22: {  	[simem:s7], [sflag:s8] =	dma.local @!p0 [hbm:s6], $0xF7A  }
0x23: {  	s9 =	sor.u32 $0xD0000000, s2;
	s6 =	simm.s32 $0x108;
	_ =	swait.ge @!p0 [sflag:s8], $0x0  }
0x24: {  	s3 =	sadd.s32 $0x88, s3;
	s6 =	simm.s32 @!p1 $0x1082;
	[sflag:s4] =	ssyncset.s32 $0xFFFFF086  }
0x25: {  	[simem:s6], [sflag:s4] =	dma.local [hbm:s3], $0xF7A  }
0x26: {  	[smem:$0x3F9F] =	sst s1;
	(tag) =	ssettag s2;
	_ =	strace s9  }
0x27: {  	s1 =	sld [smem:$0x3FAF]  }
0x28: {  	s2 =	sld [smem:$0x3FB0]  }
0x29: {  	s4 =	sld [smem:$0x3FB2]  }
0x2a: {  	p0 =	seq.s32 s5, $0x0;
	s5 =	sld [smem:$0x3FB3]  }
0x2b: {  	s6 =	sld [smem:$0x3FB4]  }
0x2c: {  	s7 =	sld [smem:$0x3FB5]  }
0x2d: {  	s3 =	simm.s32 $0x108;
	s8 =	sld [smem:$0x3FB6]  }
0x2e: {  	s3 =	simm.s32 @!p0 $0x1082;
	s9 =	sld [smem:$0x3FB7]  }
0x2f: {  	lr =	sadd.s32 s0, s3;
	s0 =	sld [smem:$0x3FAE]  }
0x30: {  	s3 =	sld [smem:$0x3FB1]  }
0x31: {  	[smem:$0x3FBA] =	sst s10  }
0x32: {  	s10 =	sld [smem:$0x3FB8];
	_ =	sdelay $0x3  }
0x33: {  	p0 =	seq.s32 s10, $0x1;
	s10 =	sld [smem:$0x3FBA];
	_ =	sdelay $0x3  }
0x34: {  	[smem:$0x3FBA] =	sst s10  }
0x35: {  	s10 =	sld [smem:$0x3FB9];
	_ =	sdelay $0x3  }
0x36: {  	p1 =	seq.s32 s10, $0x1;
	s10 =	sld [smem:$0x3FBA];
	_ =	sdelay $0x3  }
0x37: {  	[smem:$0x3FBA] =	sst s10  }
0x38: {  	s10 =	sld [smem:$0x3FBB]  }
0x39: {  	_ = 	snop;
	(pc) =	sbr.ind lr, $3  }
0x3a: {  	_ = 	snop  }
0x3b: {  	_ = 	snop  }
0x3c: {  	p2 =	seq.s32 s10, $0x1;
	s10 =	sld [smem:$0x3FBA]  }
0x3d: {  	_ =	shalt  }
0x3e: {  	_ =	shalt  }
0x3f: {  	_ =	shalt  }
0x40: {  	_ =	shalt  }
0x41: {  	_ =	shalt  }
0x42: {  	_ =	shalt  }
0x43: {  	_ =	shalt  }
0x44: {  	_ =	shalt  }
0x45: {  	_ =	shalt  }
0x46: {  	_ =	shalt  }
0x47: {  	_ =	shalt  }
0x48: {  	_ =	shalt  }
0x49: {  	_ =	shalt  }
0x4a: {  	_ =	shalt  }
0x4b: {  	_ =	shalt  }
0x4c: {  	_ =	shalt  }
0x4d: {  	_ =	shalt  }
0x4e: {  	_ =	shalt  }
0x4f: {  	_ =	shalt  }
0x50: {  	_ =	shalt  }
0x51: {  	_ =	shalt  }
0x52: {  	_ =	shalt  }
0x53: {  	_ =	shalt  }
0x54: {  	_ =	shalt  }
0x55: {  	_ =	shalt  }
0x56: {  	_ =	shalt  }
0x57: {  	_ =	shalt  }
0x58: {  	_ =	shalt  }
0x59: {  	_ =	shalt  }
0x5a: {  	_ =	shalt  }
0x5b: {  	_ =	shalt  }
0x5c: {  	_ =	shalt  }
0x5d: {  	_ =	shalt  }
0x5e: {  	_ =	shalt  }
0x5f: {  	_ =	shalt  }
0x60: {  	_ =	shalt  }
0x61: {  	_ =	shalt  }
0x62: {  	_ =	shalt  }
0x63: {  	_ =	shalt  }
0x64: {  	_ =	shalt  }
0x65: {  	_ =	shalt  }
0x66: {  	_ =	shalt  }
0x67: {  	_ =	shalt  }
0x68: {  	_ =	shalt  }
0x69: {  	_ =	shalt  }
0x6a: {  	_ =	shalt  }
0x6b: {  	_ =	shalt  }
0x6c: {  	_ =	shalt  }
0x6d: {  	_ =	shalt  }
0x6e: {  	_ =	shalt  }
0x6f: {  	_ =	shalt  }
0x70: {  	_ =	shalt  }
0x71: {  	_ =	shalt  }
0x72: {  	_ =	shalt  }
0x73: {  	_ =	shalt  }
0x74: {  	_ =	shalt  }
0x75: {  	_ =	shalt  }
0x76: {  	_ =	shalt  }
0x77: {  	_ =	shalt  }
0x78: {  	_ =	shalt  }
0x79: {  	_ =	shalt  }
0x7a: {  	_ =	shalt  }
0x7b: {  	_ =	shalt  }
0x7c: {  	_ =	shalt  }
0x7d: {  	_ =	shalt  }
0x7e: {  	_ =	shalt  }
0x7f: {  	_ =	shalt  }
0x80: {  	_ =	shalt  }
0x81: {  	_ =	shalt  }
0x82: {  	_ =	shalt  }
0x83: {  	_ =	shalt  }
0x84: {  	_ =	shalt  }
0x85: {  	_ =	shalt  }
0x86: {  	_ =	shalt  }
0x87: {  	_ =	shalt  }
.Lfunc_end0:
.L_simem_size_0:
called_computation.1_lowered:
.L_overlay_start_0:
0x88: {  	s2 =	sld [smem:$0x3FD9]  }
0x89: {  	s3 =	sld [smem:$0x3FFE];
	_ =	sdelay $0x1  }
0x8a: {  	s1 =	srdreg.scid  }
0x8b: {  	s0 =	sand.u32 $0x1, s1  }
0x8c: {  	s17 =	sshll.u32 s0, $0xA;
	s2 =	sadd.s32 s3, s2  }
0x8d: {  	s2 =	sadd.s32 s2, s17  }
0x8e: {  	[smem:$0x3FC6] =	sst s2  }
0x8f: {  	_ = 	snop  }
0x90: {  	s2 =	sld [smem:$0x3FD0];
	(tm) =	ssettm $0x1  }
0x91: {  	s18 =	sld [smem:$0x3FFB];
	_ =	sdelay $0x3  }
0x92: {  	_ =	strace s18  }
0x93: {  	s3 =	sld [smem:$0x3FFC];
	_ =	sdelay $0x3  }
0x94: {  	_ =	strace s3  }
0x95: {  	s3 =	sld [smem:$0x3FFD];
	_ =	sdelay $0x3  }
0x96: {  	_ =	strace s3  }
0x97: {  	_ =	strace $0x8FFFFFFF  }
0x98: {  	s19 =	sld [smem:$0x3FDB];
	_ =	sdelay $0x1  }
0x99: {  	s4 =	simm.s32 $_scs_section_size  }
0x9a: {  	s5 =	simm.s32 $_size__tile_overlayer_lowered;
	s6 =	simm.s32 $_tile_overlayer_lowered  }
0x9b: {  	s22 =	simm.s32 $0x1BFF;
	s21 =	sshll.u32 s6, $0x1;
	s3 =	sadd.s32 s4, s19  }
0x9c: {  	s7 =	simm.s32 $0x0;
	s20 =	sshll.u32 s5, $0x1;
	s5 =	sadd.s32 s21, s3  }
0x9d: {  	[timem:s7], [sflag:s22] =	dma.local [hbm:s5], s20  }
0x9e: {  	_ =	swait.ge [sflag:s22], s20  }
0x9f: {  	s4 =	ssub.s32 $0x0, s20;
	[sflag:s22] =	ssyncset.done $0x0  }
0xa0: {  	[sflag:s22] =	ssyncadd.s32 s4;
	_ =	sdelay $0x1  }
0xa1: {  	s23 =	simm.s32 $0x1B8B  }
0xa2: {  	_ =	swait.ge [sflag:s23], $0x1  }
0xa3: {  	[sflag:s23] =	ssyncset.done $0x0  }
0xa4: {  	s25 =	simm.s32 $0x1B8E;
	s24 =	sld [smem:$0x3FFE];
	[sflag:s23] =	ssyncadd.s32 $0xFFFFFFFF  }
0xa5: {  	s26 =	simm.s32 $execute0_lowered;
	[smem:$0x3FD2] =	sst s25  }
0xa6: {  	s5 =	sshll.u32 s26, $0x1;
	_ =	strace $0x80000046;
	[dreg:$0x1] =	wrdreg $0xFFFFFFFF  }
0xa7: {  	s28 =	simm.s32 $_size_execute0_lowered;
	s3 =	sadd.s32 s3, s5;
	[dreg:$0x0] =	wrdreg $0x0  }
0xa8: {  	s5 =	sshll.u32 s28, $0x1;
	[dreg:$0x2] =	wrdreg s3  }
0xa9: {  	[dreg:$0x3] =	wrdreg s5  }
0xaa: {  	[dreg:$0x4] =	wrdreg $0xC0  }
0xab: {  	_ =	task [dreg:s7], $0x5FFFF  }
0xac: {  	[dreg:$0x1] =	wrdreg $0xFFFFFFFF  }
0xad: {  	[dreg:$0x0] =	wrdreg $0x60  }
0xae: {  	[dreg:$0x2] =	wrdreg s2  }
0xaf: {  	[dreg:$0x3] =	wrdreg s24  }
0xb0: {  	[dreg:$0x4] =	wrdreg $0x9  }
0xb1: {  	_ =	task.clear_ibuf [dreg:s7], $0x5FFFF;
	_ =	strace $0x90000046  }
0xb2: {  	s29 =	simm.s32 $0x9;
	_ =	strace $0x80000048  }
0xb3: {  	_ =	swait.ge [sflag:s29], $0x1  }
0xb4: {  	[sflag:s29] =	ssyncadd.s32 $0xFFFFFFFF  }
0xb5: {  	_ =	strace $0x90000048  }
0xb6: {  	_ =	sfence  }
0xb7: {  	s30 =	sld [smem:$0x0];
	_ =	sdelay $0x2  }
0xb8: {  	s31 =	sshll.u32 s1, $0xD;
	s1 =	sshrl.u32 s1, $0x2  }
0xb9: {  	s3 =	sand.u32 $0x4000, s31;
	s1 =	sadd.s32 s1, s30  }
0xba: {  	s0 =	sor.u32 s3, s0;
	s1 =	sshll.u32 s1, $0x11  }
0xbb: {  	s0 =	sor.u32 s1, s0  }
0xbc: {  	s0 =	sadd.s32 $0x8F2B, s0  }
0xbd: {  	[sflag:s0] =	ssyncadd.remote.s32 $0x1  }
0xbe: {  	_ =	sfence.sel $0xFFFF  }
0xbf: {  	[dreg:$0x0] =	wrdreg $0xFFFFFFFF;
	(pc) =	sbr.abs _section_cstart, $3  }
0xc0: {  	[dreg:$0x1] =	wrdreg $0xFFFFFFFF  }
0xc1: {  	_ =	task.clear_ibuf [dreg:s7], $0x2FFFF;
	_ =	strace $0x9FFFFFFF  }
0xc2: {  	(tm) =	ssettm $0x7FFFFFFF  }
0xc3: {  	_ =	shalt  }
tec
execute0_lowered:
.L_overlay_start_1:
0x0: {  	(tag) =	ssettag $0x1  }
0x1: {  	s2 =	rddreg [dreg:$0x0];
	s0 =	srdreg.scid  }
0x2: {  	s3 =	stileid.u32;
	s1 =	rddreg [dreg:$0x1]  }
0x3: {  	s11 =	simm.s32 $0x3;
	s28 =	simm.s32 $0x7F00;
	s29 =	simm.s32 $0x8700  }
0x4: {  	s30 =	simm.s32 $0x8F00;
	s31 =	simm.s32 $0x9700;
	s12 =	simm.s32 $0xAF00  }
0x5: {  	s13 =	simm.s32 $0xB700;
	s14 =	simm.s32 $0xBF00;
	s15 =	simm.s32 $0xC700  }
0x6: {  	s16 =	simm.s32 $0xCF00;
	s17 =	simm.s32 $0xD700;
	s18 =	simm.s32 $0xDF00  }
0x7: {  	s19 =	simm.s32 $0x1;
	s20 =	simm.s32 $0x2;
	s21 =	simm.s32 $0x0  }
0x8: {  	s0 =	sand.u32 $0x1, s0;
	s4 =	sshll.u32 s3, $0x1;
	s3 =	simm.s32 $0x0  }
0x9: {  	s7 =	sadd.s32 $0x100, s2;
	s8 =	sadd.s32 $0x200, s2;
	s9 =	sadd.s32 $0x300, s2  }
.Ltmp0:
0xa: {  	s5 =	sor.u32 s0, s4;
	s0 =	ssub.s32 $0x2, s0;
	(pc) =	sbr.rel .LBB2_1-.Ltmp0, $4  }
0xb: {  	[smem:$0x7FF] =	sst s3;
	s4 =	smul.u32 $0xE0, s5;
	s26 =	sshrl.u32 s0, $0x1  }
0xc: {  	v2 =	vlaneseq.u32;
	_ =	strace $0x80000047;
	s5 =	sshll.u32 s5, $0x5;
	s0 =	ssub.s32 s0, s26  }
0xd: {  	vm0 =	vmmov $0xffff;
	v1 =	vshrl.u32 v2, $0x3;
	s6 =	sadd.s32 s4, s1;
	s4 =	sadd.s32 $0x2400, s1;
	s10 =	smax.u32 s0, $0x1  }
0xe: {  	v0 =	vand.u32 $0x7, v2;
	v2 =	vor.u32 $0x8, v2;
	v1 =	vmul.u32 $0x8, v1;
	s1 =	simm.s32 $0x9F00;
	s0 =	simm.s32 $0xA700;
	s6 =	sadd.s32 $0x800, s6  }
.LBB2_5:
0xf: {  	s21 =	sadd.s32 $0x1, s21  }
0x10: {  	p0 =	sne.s32 s21, s10  }
.Ltmp1:
0x11: {  	_ = 	snop;
	(pc) =	sbr.rel @!p0 .LBB2_6-.Ltmp1, $4  }
0x12: {  	_ = 	snop  }
0x13: {  	_ =	swait.ge [sflag:s20], $0xE000  }
0x14: {  	[sflag:s20] =	ssyncset.done $0x0  }
0x15: {  	[sflag:s20] =	ssyncadd.s32 $0xFFFF2000  }
.LBB2_1:
0x16: {  	[tilespmem:s3], [sflag:$0x3] =	stream.linear.gather [hbm4b:s6+s3], $0x700, $0x38;
	[tilespmem:$0x1C700] =	vst v63  }
0x17: {  	_ =	swait.ge [sflag:s11], $0x700  }
0x18: {  	[sflag:s11] =	ssyncset.done $0x0  }
0x19: {  	[sflag:s11] =	ssyncadd.s32 $0xFFFFF900  }
0x1a: {  	v3 =	vld [tilespmem:$0x0];
	_ =	sdelay $0x4  }
0x1b: {  	v4 =	vshll.u32 v3, $0x3  }
0x1c: {  	v3 =	vand.u32 $0x7, v3;
	v4 =	vand.u32 $0xFFFFFFC0, v4  }
0x1d: {  	v3 =	vor.u32 v3, v4  }
0x1e: {  	v4 =	vperm.xlane v3, v0;
	_ =	sdelay $0x1  }
0x1f: {  	v4 =	vadd.s32 v1, v4;
	_ =	sdelay $0x3  }
0x20: {  	s22 =	simm.s32 $0x700  }
0x21: {  	[tilespmem:s22], [sflag:$0x1] =	stream.indirect_vreg.gather [hbm4b:s2+s3], $0x80, v4, vm0, $0xb8;
	[tilespmem:$0x1C700] =	vst v63  }
0x22: {  	s25 =	simm.s32 $0xF00;
	v3 =	vperm.xlane v3, v2  }
0x23: {  	[tilespmem:s25], [sflag:$0x1] =	stream.indirect_vreg.gather [hbm4b:s7+s3], $0x80, v4, vm0, $0xb8;
	[tilespmem:$0x1C700] =	vst v63  }
0x24: {  	s26 =	simm.s32 $0x1700;
	v3 =	vadd.s32 v1, v3  }
0x25: {  	[tilespmem:s26], [sflag:$0x1] =	stream.indirect_vreg.gather [hbm4b:s8+s3], $0x80, v4, vm0, $0xb8;
	[tilespmem:$0x1C700] =	vst v63  }
0x26: {  	s23 =	simm.s32 $0x1F00  }
0x27: {  	[tilespmem:s23], [sflag:$0x1] =	stream.indirect_vreg.gather [hbm4b:s9+s3], $0x80, v4, vm0, $0xb8;
	[tilespmem:$0x1C700] =	vst v63  }
0x28: {  	s24 =	simm.s32 $0x2700  }
0x29: {  	[tilespmem:s24], [sflag:$0x1] =	stream.indirect_vreg.gather [hbm4b:s2+s3], $0x80, v3, vm0, $0xb8;
	[tilespmem:$0x1C700] =	vst v63  }
0x2a: {  	s25 =	simm.s32 $0x2F00  }
0x2b: {  	[tilespmem:s25], [sflag:$0x1] =	stream.indirect_vreg.gather [hbm4b:s7+s3], $0x80, v3, vm0, $0xb8;
	[tilespmem:$0x1C700] =	vst v63  }
0x2c: {  	s26 =	simm.s32 $0x3700  }
0x2d: {  	[tilespmem:s26], [sflag:$0x1] =	stream.indirect_vreg.gather [hbm4b:s8+s3], $0x80, v3, vm0, $0xb8;
	[tilespmem:$0x1C700] =	vst v63  }
0x2e: {  	s23 =	simm.s32 $0x3F00  }
0x2f: {  	[tilespmem:s23], [sflag:$0x1] =	stream.indirect_vreg.gather [hbm4b:s9+s3], $0x80, v3, vm0, $0xb8;
	[tilespmem:$0x1C700] =	vst v63  }
0x30: {  	v3 =	vld [tilespmem:$0x10];
	_ =	sdelay $0x4  }
0x31: {  	v61 =	vshll.u32 v3, $0x3  }
0x32: {  	v3 =	vand.u32 $0x7, v3;
	v4 =	vand.u32 $0xFFFFFFC0, v61  }
0x33: {  	v3 =	vor.u32 v3, v4  }
0x34: {  	v4 =	vperm.xlane v3, v0;
	_ =	sdelay $0x1  }
0x35: {  	v4 =	vadd.s32 v1, v4;
	_ =	sdelay $0x3  }
0x36: {  	s24 =	simm.s32 $0x4700  }
0x37: {  	[tilespmem:s24], [sflag:$0x1] =	stream.indirect_vreg.gather [hbm4b:s2+s3], $0x80, v4, vm0, $0xb8;
	[tilespmem:$0x1C700] =	vst v63  }
0x38: {  	s25 =	simm.s32 $0x4F00;
	v3 =	vperm.xlane v3, v2  }
0x39: {  	[tilespmem:s25], [sflag:$0x1] =	stream.indirect_vreg.gather [hbm4b:s7+s3], $0x80, v4, vm0, $0xb8;
	[tilespmem:$0x1C700] =	vst v63  }
0x3a: {  	s26 =	simm.s32 $0x5700;
	v3 =	vadd.s32 v1, v3  }
0x3b: {  	[tilespmem:s26], [sflag:$0x1] =	stream.indirect_vreg.gather [hbm4b:s8+s3], $0x80, v4, vm0, $0xb8;
	[tilespmem:$0x1C700] =	vst v63  }
0x3c: {  	s23 =	simm.s32 $0x5F00  }
0x3d: {  	[tilespmem:s23], [sflag:$0x1] =	stream.indirect_vreg.gather [hbm4b:s9+s3], $0x80, v4, vm0, $0xb8;
	[tilespmem:$0x1C700] =	vst v63  }
0x3e: {  	s24 =	simm.s32 $0x6700  }
0x3f: {  	[tilespmem:s24], [sflag:$0x1] =	stream.indirect_vreg.gather [hbm4b:s2+s3], $0x80, v3, vm0, $0xb8;
	[tilespmem:$0x1C700] =	vst v63  }
0x40: {  	s25 =	simm.s32 $0x6F00  }
0x41: {  	[tilespmem:s25], [sflag:$0x1] =	stream.indirect_vreg.gather [hbm4b:s7+s3], $0x80, v3, vm0, $0xb8;
	[tilespmem:$0x1C700] =	vst v63  }
0x42: {  	s26 =	simm.s32 $0x7700  }
0x43: {  	[tilespmem:s26], [sflag:$0x1] =	stream.indirect_vreg.gather [hbm4b:s8+s3], $0x80, v3, vm0, $0xb8;
	[tilespmem:$0x1C700] =	vst v63  }
0x44: {  	_ = 	snop  }
0x45: {  	[tilespmem:s28], [sflag:$0x1] =	stream.indirect_vreg.gather [hbm4b:s9+s3], $0x80, v3, vm0, $0xb8;
	[tilespmem:$0x1C700] =	vst v63  }
0x46: {  	v3 =	vld [tilespmem:$0x20];
	_ =	sdelay $0x4  }
0x47: {  	v62 =	vshll.u32 v3, $0x3  }
0x48: {  	v3 =	vand.u32 $0x7, v3;
	v4 =	vand.u32 $0xFFFFFFC0, v62  }
0x49: {  	v3 =	vor.u32 v3, v4  }
0x4a: {  	v4 =	vperm.xlane v3, v0;
	_ =	sdelay $0x1  }
0x4b: {  	v4 =	vadd.s32 v1, v4;
	_ =	sdelay $0x4  }
0x4c: {  	[tilespmem:s29], [sflag:$0x1] =	stream.indirect_vreg.gather [hbm4b:s2+s3], $0x80, v4, vm0, $0xb8;
	[tilespmem:$0x1C700] =	vst v63  }
0x4d: {  	v3 =	vperm.xlane v3, v2  }
0x4e: {  	[tilespmem:s30], [sflag:$0x1] =	stream.indirect_vreg.gather [hbm4b:s7+s3], $0x80, v4, vm0, $0xb8;
	[tilespmem:$0x1C700] =	vst v63  }
0x4f: {  	v3 =	vadd.s32 v1, v3  }
0x50: {  	[tilespmem:s31], [sflag:$0x1] =	stream.indirect_vreg.gather [hbm4b:s8+s3], $0x80, v4, vm0, $0xb8;
	[tilespmem:$0x1C700] =	vst v63  }
0x51: {  	_ = 	snop  }
0x52: {  	[tilespmem:s1], [sflag:$0x1] =	stream.indirect_vreg.gather [hbm4b:s9+s3], $0x80, v4, vm0, $0xb8;
	[tilespmem:$0x1C700] =	vst v63  }
0x53: {  	_ = 	snop  }
0x54: {  	[tilespmem:s0], [sflag:$0x1] =	stream.indirect_vreg.gather [hbm4b:s2+s3], $0x80, v3, vm0, $0xb8;
	[tilespmem:$0x1C700] =	vst v63  }
0x55: {  	_ = 	snop  }
0x56: {  	[tilespmem:s12], [sflag:$0x1] =	stream.indirect_vreg.gather [hbm4b:s7+s3], $0x80, v3, vm0, $0xb8;
	[tilespmem:$0x1C700] =	vst v63  }
0x57: {  	_ = 	snop  }
0x58: {  	[tilespmem:s13], [sflag:$0x1] =	stream.indirect_vreg.gather [hbm4b:s8+s3], $0x80, v3, vm0, $0xb8;
	[tilespmem:$0x1C700] =	vst v63  }
0x59: {  	_ = 	snop  }
0x5a: {  	[tilespmem:s14], [sflag:$0x1] =	stream.indirect_vreg.gather [hbm4b:s9+s3], $0x80, v3, vm0, $0xb8;
	[tilespmem:$0x1C700] =	vst v63  }
0x5b: {  	v3 =	vld.msk [tilespmem:$0x30], $0xff;
	_ =	sdelay $0x4  }
0x5c: {  	v63 =	vshll.u32 v3, $0x3  }
0x5d: {  	v3 =	vand.u32 $0x7, v3;
	v4 =	vand.u32 $0xFFFFFFC0, v63  }
0x5e: {  	v3 =	vor.u32 v3, v4  }
0x5f: {  	v3 =	vperm.xlane v3, v0;
	_ =	sdelay $0x1  }
0x60: {  	v3 =	vadd.s32 v1, v3;
	_ =	sdelay $0x4  }
0x61: {  	[tilespmem:s15], [sflag:$0x1] =	stream.indirect_vreg.gather [hbm4b:s2+s3], $0x80, v3, vm0, $0xb8;
	[tilespmem:$0x1C700] =	vst v63  }
0x62: {  	_ = 	snop  }
0x63: {  	[tilespmem:s16], [sflag:$0x1] =	stream.indirect_vreg.gather [hbm4b:s7+s3], $0x80, v3, vm0, $0xb8;
	[tilespmem:$0x1C700] =	vst v63  }
.Ltmp2:
0x64: {  	_ = 	snop;
	(pc) =	sbr.rel .LBB2_2-.Ltmp2, $4  }
0x65: {  	_ = 	snop  }
0x66: {  	[tilespmem:s17], [sflag:$0x1] =	stream.indirect_vreg.gather [hbm4b:s8+s3], $0x80, v3, vm0, $0xb8;
	[tilespmem:$0x1C700] =	vst v63  }
0x67: {  	s22 =	simm.s32 $0x0  }
0x68: {  	[tilespmem:s18], [sflag:$0x1] =	stream.indirect_vreg.gather [hbm4b:s9+s3], $0x80, v3, vm0, $0xb8;
	[tilespmem:$0x1C700] =	vst v63  }
.LBB2_4:
0x69: {  	s26 =	sand.u32 $0x1, s22  }
0x6a: {  	s24 =	sor.u32 s5, s22;
	s22 =	simm.s32 $0xE700;
	p0 =	seq.s32 s26, $0x1  }
0x6b: {  	s24 =	smul.u32 $0x1C00, s24;
	s22 =	simm.s32 @!p0 $0x700;
	p0 =	slt.u32 s23, $0x20  }
.Ltmp3:
0x6c: {  	_ =	swait.ge [sflag:s19], $0xE000;
	(pc) =	sbr.rel @!p0 .LBB2_5-.Ltmp3, $4  }
0x6d: {  	[sflag:s19] =	ssyncset.done $0x0  }
0x6e: {  	[sflag:s19] =	ssyncadd.s32 $0xFFFF2000;
	s24 =	sadd.s32 s4, s24  }
0x6f: {  	[hbm4b:s24+s3] =	stream.linear.scatter [tilespmem:s22], [sflag:$0x2], $0xE000, $0x38;
	[tilespmem:$0x1C700] =	vst v63  }
0x70: {  	s22 =	smov.u32 s23  }
.LBB2_2:
0x71: {  	p0 =	seq.s32 s22, $0x0  }
0x72: {  	p1 =	seq.s32 @!p0 s22, $0x1F  }
0x73: {  	p1 =	por p0, !p1  }
.Ltmp4:
0x74: {  	_ = 	snop;
	(pc) =	sbr.rel @!p1 .LBB2_4-.Ltmp4, $4  }
0x75: {  	s23 =	simm.s32 @!p0 $0x2  }
0x76: {  	_ =	swait.ge @!p0 [sflag:s23], $0xE000  }
0x77: {  	[sflag:s23] =	ssyncset.done @!p0 $0x0  }
0x78: {  	[sflag:s23] =	ssyncadd.s32 @!p0 $0xFFFF2000;
	s23 =	simm.s32 @!p0 $0x20  }
0x79: {  	s23 =	sadd.s32 @!p0 $0x1, s22  }
0x7a: {  	s23 =	simm.s32 @p0 $0x1  }
0x7b: {  	s24 =	smul.u32 $0xE0, s23;
	_ =	sdelay $0x1  }
0x7c: {  	s25 =	sshra.s32 s24, $0x2  }
0x7d: {  	v3 =	vld [tilespmem:s25+$0x0];
	_ =	sdelay $0x4  }
0x7e: {  	v4 =	vshll.u32 v3, $0x3  }
0x7f: {  	v3 =	vand.u32 $0x7, v3;
	v4 =	vand.u32 $0xFFFFFFC0, v4  }
0x80: {  	v3 =	vor.u32 v3, v4  }
0x81: {  	v4 =	vperm.xlane v3, v0;
	_ =	sdelay $0x1  }
0x82: {  	v4 =	vadd.s32 v1, v4  }
0x83: {  	s26 =	sand.u32 $0x1, s23  }
0x84: {  	p0 =	seq.s32 s26, $0x1;
	s24 =	simm.s32 $0xE000  }
0x85: {  	s24 =	simm.s32 @!p0 $0x0  }
0x86: {  	s26 =	sor.u32 $0x700, s24  }
0x87: {  	[tilespmem:s26], [sflag:$0x1] =	stream.indirect_vreg.gather [hbm4b:s2+s3], $0x80, v4, vm0, $0xb8;
	[tilespmem:$0x1C700] =	vst v63  }
0x88: {  	v3 =	vperm.xlane v3, v2;
	s26 =	sor.u32 $0xF00, s24  }
0x89: {  	[tilespmem:s26], [sflag:$0x1] =	stream.indirect_vreg.gather [hbm4b:s7+s3], $0x80, v4, vm0, $0xb8;
	[tilespmem:$0x1C700] =	vst v63  }
0x8a: {  	v3 =	vadd.s32 v1, v3;
	s26 =	sor.u32 $0x1700, s24  }
0x8b: {  	[tilespmem:s26], [sflag:$0x1] =	stream.indirect_vreg.gather [hbm4b:s8+s3], $0x80, v4, vm0, $0xb8;
	[tilespmem:$0x1C700] =	vst v63  }
0x8c: {  	s26 =	sor.u32 $0x1F00, s24  }
0x8d: {  	[tilespmem:s26], [sflag:$0x1] =	stream.indirect_vreg.gather [hbm4b:s9+s3], $0x80, v4, vm0, $0xb8;
	[tilespmem:$0x1C700] =	vst v63  }
0x8e: {  	s26 =	sadd.s32 $0x2700, s24  }
0x8f: {  	[tilespmem:s26], [sflag:$0x1] =	stream.indirect_vreg.gather [hbm4b:s2+s3], $0x80, v3, vm0, $0xb8;
	[tilespmem:$0x1C700] =	vst v63  }
0x90: {  	s26 =	sadd.s32 $0x2F00, s24  }
0x91: {  	[tilespmem:s26], [sflag:$0x1] =	stream.indirect_vreg.gather [hbm4b:s7+s3], $0x80, v3, vm0, $0xb8;
	[tilespmem:$0x1C700] =	vst v63  }
0x92: {  	s26 =	sadd.s32 $0x3700, s24  }
0x93: {  	[tilespmem:s26], [sflag:$0x1] =	stream.indirect_vreg.gather [hbm4b:s8+s3], $0x80, v3, vm0, $0xb8;
	[tilespmem:$0x1C700] =	vst v63  }
0x94: {  	s26 =	sadd.s32 $0x3F00, s24  }
0x95: {  	[tilespmem:s26], [sflag:$0x1] =	stream.indirect_vreg.gather [hbm4b:s9+s3], $0x80, v3, vm0, $0xb8;
	[tilespmem:$0x1C700] =	vst v63  }
0x96: {  	v3 =	vld [tilespmem:s25+$0x10];
	_ =	sdelay $0x4  }
0x97: {  	v61 =	vshll.u32 v3, $0x3  }
0x98: {  	v3 =	vand.u32 $0x7, v3;
	v4 =	vand.u32 $0xFFFFFFC0, v61  }
0x99: {  	v3 =	vor.u32 v3, v4  }
0x9a: {  	v4 =	vperm.xlane v3, v0;
	_ =	sdelay $0x1  }
0x9b: {  	v4 =	vadd.s32 v1, v4;
	_ =	sdelay $0x3  }
0x9c: {  	s26 =	sadd.s32 $0x4700, s24  }
0x9d: {  	[tilespmem:s26], [sflag:$0x1] =	stream.indirect_vreg.gather [hbm4b:s2+s3], $0x80, v4, vm0, $0xb8;
	[tilespmem:$0x1C700] =	vst v63  }
0x9e: {  	v3 =	vperm.xlane v3, v2;
	s26 =	sadd.s32 $0x4F00, s24  }
0x9f: {  	[tilespmem:s26], [sflag:$0x1] =	stream.indirect_vreg.gather [hbm4b:s7+s3], $0x80, v4, vm0, $0xb8;
	[tilespmem:$0x1C700] =	vst v63  }
0xa0: {  	v3 =	vadd.s32 v1, v3;
	s26 =	sadd.s32 $0x5700, s24  }
0xa1: {  	[tilespmem:s26], [sflag:$0x1] =	stream.indirect_vreg.gather [hbm4b:s8+s3], $0x80, v4, vm0, $0xb8;
	[tilespmem:$0x1C700] =	vst v63  }
0xa2: {  	s26 =	sadd.s32 $0x5F00, s24  }
0xa3: {  	[tilespmem:s26], [sflag:$0x1] =	stream.indirect_vreg.gather [hbm4b:s9+s3], $0x80, v4, vm0, $0xb8;
	[tilespmem:$0x1C700] =	vst v63  }
0xa4: {  	s26 =	sadd.s32 $0x6700, s24  }
0xa5: {  	[tilespmem:s26], [sflag:$0x1] =	stream.indirect_vreg.gather [hbm4b:s2+s3], $0x80, v3, vm0, $0xb8;
	[tilespmem:$0x1C700] =	vst v63  }
0xa6: {  	s26 =	sadd.s32 $0x6F00, s24  }
0xa7: {  	[tilespmem:s26], [sflag:$0x1] =	stream.indirect_vreg.gather [hbm4b:s7+s3], $0x80, v3, vm0, $0xb8;
	[tilespmem:$0x1C700] =	vst v63  }
0xa8: {  	s26 =	sadd.s32 $0x7700, s24  }
0xa9: {  	[tilespmem:s26], [sflag:$0x1] =	stream.indirect_vreg.gather [hbm4b:s8+s3], $0x80, v3, vm0, $0xb8;
	[tilespmem:$0x1C700] =	vst v63  }
0xaa: {  	s26 =	sadd.s32 $0x7F00, s24  }
0xab: {  	[tilespmem:s26], [sflag:$0x1] =	stream.indirect_vreg.gather [hbm4b:s9+s3], $0x80, v3, vm0, $0xb8;
	[tilespmem:$0x1C700] =	vst v63  }
0xac: {  	v3 =	vld [tilespmem:s25+$0x20];
	_ =	sdelay $0x4  }
0xad: {  	v62 =	vshll.u32 v3, $0x3  }
0xae: {  	v3 =	vand.u32 $0x7, v3;
	v4 =	vand.u32 $0xFFFFFFC0, v62  }
0xaf: {  	v3 =	vor.u32 v3, v4  }
0xb0: {  	v4 =	vperm.xlane v3, v0;
	_ =	sdelay $0x1  }
0xb1: {  	v4 =	vadd.s32 v1, v4;
	_ =	sdelay $0x3  }
0xb2: {  	s26 =	sadd.s32 $0x8700, s24  }
0xb3: {  	[tilespmem:s26], [sflag:$0x1] =	stream.indirect_vreg.gather [hbm4b:s2+s3], $0x80, v4, vm0, $0xb8;
	[tilespmem:$0x1C700] =	vst v63  }
0xb4: {  	v3 =	vperm.xlane v3, v2;
	s26 =	sadd.s32 $0x8F00, s24  }
0xb5: {  	[tilespmem:s26], [sflag:$0x1] =	stream.indirect_vreg.gather [hbm4b:s7+s3], $0x80, v4, vm0, $0xb8;
	[tilespmem:$0x1C700] =	vst v63  }
0xb6: {  	v3 =	vadd.s32 v1, v3;
	s26 =	sadd.s32 $0x9700, s24  }
0xb7: {  	[tilespmem:s26], [sflag:$0x1] =	stream.indirect_vreg.gather [hbm4b:s8+s3], $0x80, v4, vm0, $0xb8;
	[tilespmem:$0x1C700] =	vst v63  }
0xb8: {  	s26 =	sadd.s32 $0x9F00, s24  }
0xb9: {  	[tilespmem:s26], [sflag:$0x1] =	stream.indirect_vreg.gather [hbm4b:s9+s3], $0x80, v4, vm0, $0xb8;
	[tilespmem:$0x1C700] =	vst v63  }
0xba: {  	s26 =	sadd.s32 $0xA700, s24  }
0xbb: {  	[tilespmem:s26], [sflag:$0x1] =	stream.indirect_vreg.gather [hbm4b:s2+s3], $0x80, v3, vm0, $0xb8;
	[tilespmem:$0x1C700] =	vst v63  }
0xbc: {  	s26 =	sadd.s32 $0xAF00, s24  }
0xbd: {  	[tilespmem:s26], [sflag:$0x1] =	stream.indirect_vreg.gather [hbm4b:s7+s3], $0x80, v3, vm0, $0xb8;
	[tilespmem:$0x1C700] =	vst v63  }
0xbe: {  	s26 =	sadd.s32 $0xB700, s24  }
0xbf: {  	[tilespmem:s26], [sflag:$0x1] =	stream.indirect_vreg.gather [hbm4b:s8+s3], $0x80, v3, vm0, $0xb8;
	[tilespmem:$0x1C700] =	vst v63  }
0xc0: {  	s26 =	sadd.s32 $0xBF00, s24  }
0xc1: {  	[tilespmem:s26], [sflag:$0x1] =	stream.indirect_vreg.gather [hbm4b:s9+s3], $0x80, v3, vm0, $0xb8;
	[tilespmem:$0x1C700] =	vst v63  }
0xc2: {  	v3 =	vld.msk [tilespmem:s25+$0x30], $0xff;
	_ =	sdelay $0x4  }
0xc3: {  	v63 =	vshll.u32 v3, $0x3  }
0xc4: {  	v3 =	vand.u32 $0x7, v3;
	v4 =	vand.u32 $0xFFFFFFC0, v63  }
0xc5: {  	v3 =	vor.u32 v3, v4  }
0xc6: {  	v3 =	vperm.xlane v3, v0;
	_ =	sdelay $0x1  }
0xc7: {  	v3 =	vadd.s32 v1, v3;
	_ =	sdelay $0x3  }
0xc8: {  	s26 =	sadd.s32 $0xC700, s24  }
0xc9: {  	[tilespmem:s26], [sflag:$0x1] =	stream.indirect_vreg.gather [hbm4b:s2+s3], $0x80, v3, vm0, $0xb8;
	[tilespmem:$0x1C700] =	vst v63  }
0xca: {  	s26 =	sadd.s32 $0xCF00, s24  }
0xcb: {  	[tilespmem:s26], [sflag:$0x1] =	stream.indirect_vreg.gather [hbm4b:s7+s3], $0x80, v3, vm0, $0xb8;
	[tilespmem:$0x1C700] =	vst v63  }
.Ltmp5:
0xcc: {  	_ = 	snop;
	(pc) =	sbr.rel .LBB2_4-.Ltmp5, $4  }
0xcd: {  	s26 =	sadd.s32 $0xD700, s24  }
0xce: {  	[tilespmem:s26], [sflag:$0x1] =	stream.indirect_vreg.gather [hbm4b:s8+s3], $0x80, v3, vm0, $0xb8;
	[tilespmem:$0x1C700] =	vst v63  }
0xcf: {  	s24 =	sadd.s32 $0xDF00, s24  }
0xd0: {  	[tilespmem:s24], [sflag:$0x1] =	stream.indirect_vreg.gather [hbm4b:s9+s3], $0x80, v3, vm0, $0xb8;
	[tilespmem:$0x1C700] =	vst v63  }
.LBB2_6:
0xd1: {  	_ =	sfence.sel $0x180000  }
0xd2: {  	[bflag:$0x0] =	sbarrier.arrive $0xFFFF  }
0xd3: {  	_ =	strace $0x90000047  }
0xd4: {  	s0 =	stileid.u32;
	[bflag:$0x2] =	sbarrier.arrive $0xFFFF  }
0xd5: {  	p0 =	sne.s32 s0, $0x0;
	s0 =	rddreg [dreg:$0x2]  }
0xd6: {  	s0 =	sadd.s32 @!p0 $0x100000, s0  }
0xd7: {  	[sflag:s0] =	ssyncadd.tile.s32 @!p0 $0x1;
	_ =	shalt  }
.Lfunc_end2:
_tile_overlayer_lowered:
.L_overlay_start_2:
0xd8: {  	(tag) =	ssettag $0x2  }
0xd9: {  	s0 =	rddreg [dreg:$0x0];
	s2 =	stileid.u32  }
0xda: {  	s1 =	rddreg [dreg:$0x1];
	p0 =	sne.s32 s2, $0x0  }
0xdb: {  	s3 =	rddreg [dreg:$0x2];
	[bflag:$0x3] =	sbarrier.arrive $0xFFFF;
	s2 =	simm.s32 @!p0 $0x1C03  }
0xdc: {  	[timem:s3], [sflag:s2] =	dma.local @!p0 [hbm:s0], s1  }
0xdd: {  	s0 =	simm.s32 @!p0 $0x3  }
0xde: {  	_ =	swait.ge @!p0 [sflag:s0], s1  }
0xdf: {  	s1 =	ssub.s32 @!p0 $0x0, s1;
	[sflag:s0] =	ssyncset.done @!p0 $0x0  }
0xe0: {  	[sflag:s0] =	ssyncadd.s32 @!p0 s1  }
0xe1: {  	[bflag:$0x3] =	sbarrier.arrive $0xFFFF  }
0xe2: {  	_ =	shalt  }

// kernel: sparse-core-data-format-call.cloned.1.call-start
scs
called_computation_lowered:
.L_overlay_start_0:
0x0: {  	s2 =	sld [smem:$0x3FD9]  }
0x1: {  	s3 =	sld [smem:$0x3FFE];
	_ =	sdelay $0x1  }
0x2: {  	s1 =	srdreg.scid  }
0x3: {  	s0 =	sand.u32 $0x1, s1  }
0x4: {  	s18 =	sshll.u32 s0, $0xA;
	s2 =	sadd.s32 s3, s2  }
0x5: {  	s2 =	sadd.s32 s2, s18  }
0x6: {  	[smem:$0x3FC6] =	sst s2  }
0x7: {  	_ = 	snop  }
0x8: {  	s2 =	sld [smem:$0x3FD0];
	(tm) =	ssettm $0x1  }
0x9: {  	s19 =	sld [smem:$0x3FFB];
	_ =	sdelay $0x3  }
0xa: {  	_ =	strace s19  }
0xb: {  	s3 =	sld [smem:$0x3FFC];
	_ =	sdelay $0x3  }
0xc: {  	_ =	strace s3  }
0xd: {  	s3 =	sld [smem:$0x3FFD];
	_ =	sdelay $0x3  }
0xe: {  	_ =	strace s3  }
0xf: {  	_ =	strace $0x8FFFFFFF  }
0x10: {  	s20 =	sld [smem:$0x3FDB];
	_ =	sdelay $0x1  }
0x11: {  	s4 =	simm.s32 $_scs_section_size  }
0x12: {  	s5 =	simm.s32 $_size__tile_overlayer_lowered;
	s6 =	simm.s32 $_tile_overlayer_lowered  }
0x13: {  	s23 =	simm.s32 $0x1BFF;
	s22 =	sshll.u32 s6, $0x1;
	s3 =	sadd.s32 s4, s20  }
0x14: {  	s7 =	simm.s32 $0x0;
	s21 =	sshll.u32 s5, $0x1;
	s5 =	sadd.s32 s22, s3  }
0x15: {  	[timem:s7], [sflag:s23] =	dma.local [hbm:s5], s21  }
0x16: {  	_ =	swait.ge [sflag:s23], s21  }
0x17: {  	s4 =	ssub.s32 $0x0, s21;
	[sflag:s23] =	ssyncset.done $0x0  }
0x18: {  	[sflag:s23] =	ssyncadd.s32 s4;
	_ =	sdelay $0x1  }
0x19: {  	s24 =	simm.s32 $0x1B8B  }
0x1a: {  	_ =	swait.ge [sflag:s24], $0x1  }
0x1b: {  	[sflag:s24] =	ssyncset.done $0x0  }
0x1c: {  	s26 =	simm.s32 $0x1B8E;
	s25 =	sld [smem:$0x3FFE];
	[sflag:s24] =	ssyncadd.s32 $0xFFFFFFFF  }
0x1d: {  	s27 =	simm.s32 $execute0_lowered;
	[smem:$0x3FD2] =	sst s26  }
0x1e: {  	s5 =	sshll.u32 s27, $0x1;
	_ =	strace $0x80000049;
	[dreg:$0x1] =	wrdreg $0xFFFFFFFF  }
0x1f: {  	s28 =	simm.s32 $_size_execute0_lowered;
	s3 =	sadd.s32 s3, s5;
	[dreg:$0x0] =	wrdreg $0x0  }
0x20: {  	s5 =	sshll.u32 s28, $0x1;
	[dreg:$0x2] =	wrdreg s3  }
0x21: {  	[dreg:$0x3] =	wrdreg s5  }
0x22: {  	[dreg:$0x4] =	wrdreg $0xC0  }
0x23: {  	_ =	task [dreg:s7], $0x5FFFF  }
0x24: {  	[dreg:$0x1] =	wrdreg $0xFFFFFFFF  }
0x25: {  	[dreg:$0x0] =	wrdreg $0x60  }
0x26: {  	[dreg:$0x2] =	wrdreg s25  }
0x27: {  	[dreg:$0x3] =	wrdreg s2  }
0x28: {  	[dreg:$0x4] =	wrdreg $0x9  }
0x29: {  	_ =	task.clear_ibuf [dreg:s7], $0x5FFFF;
	_ =	strace $0x90000049  }
0x2a: {  	s29 =	simm.s32 $0x9;
	_ =	strace $0x8000004B  }
0x2b: {  	_ =	swait.ge [sflag:s29], $0x1  }
0x2c: {  	[sflag:s29] =	ssyncadd.s32 $0xFFFFFFFF  }
0x2d: {  	_ =	strace $0x9000004B  }
0x2e: {  	_ =	sfence  }
0x2f: {  	s30 =	sld [smem:$0x0];
	_ =	sdelay $0x2  }
0x30: {  	s31 =	sshll.u32 s1, $0xD;
	s1 =	sshrl.u32 s1, $0x2  }
0x31: {  	s3 =	sand.u32 $0x4000, s31;
	s1 =	sadd.s32 s1, s30  }
0x32: {  	s0 =	sor.u32 s3, s0;
	s1 =	sshll.u32 s1, $0x11  }
0x33: {  	s0 =	sor.u32 s1, s0  }
0x34: {  	s0 =	sadd.s32 $0x8F2B, s0  }
0x35: {  	[sflag:s0] =	ssyncadd.remote.s32 $0x1  }
0x36: {  	_ =	sfence.sel $0xFFFF  }
0x37: {  	[dreg:$0x0] =	wrdreg $0xFFFFFFFF;
	(pc) =	sbr.abs _section_cstart, $3  }
0x38: {  	[dreg:$0x1] =	wrdreg $0xFFFFFFFF  }
0x39: {  	_ =	task.clear_ibuf [dreg:s7], $0x2FFFF;
	_ =	strace $0x9FFFFFFF  }
0x3a: {  	(tm) =	ssettm $0x7FFFFFFF  }
0x3b: {  	_ =	shalt  }
tec
execute0_lowered:
.L_overlay_start_1:
0x0: {  	(tag) =	ssettag $0x1  }
0x1: {  	s4 =	rddreg [dreg:$0x0]  }
0x2: {  	s0 =	stileid.u32;
	s2 =	rddreg [dreg:$0x1]  }
0x3: {  	s7 =	srdreg.scid;
	s31 =	simm.s32 $0x2;
	s17 =	simm.s32 $0x0  }
0x4: {  	s9 =	simm.s32 $0x2000;
	s19 =	simm.s32 $0x0;
	s18 =	simm.s32 $0x0  }
0x5: {  	s10 =	simm.s32 $0x0;
	s11 =	simm.s32 $0x0;
	s1 =	sshll.u32 s0, $0x7  }
0x6: {  	s12 =	simm.s32 $0x0;
	s14 =	simm.s32 $0x0;
	s3 =	sand.u32 $0x380, s1  }
0x7: {  	s16 =	simm.s32 $0x0;
	s4 =	sadd.s32 $0x2400, s4;
	s5 =	ssub.s32 $0x400, s3  }
0x8: {  	s8 =	sshll.u32 s0, $0x4;
	s7 =	sshll.u32 s7, $0x8;
	s6 =	sand.u32 $0x380, s5  }
0x9: {  	s1 =	rddreg [dreg:$0x2];
	p0 =	sne.s32 s6, $0x0;
	s6 =	simm.s32 $0x1  }
.Ltmp0:
0xa: {  	s5 =	sshrl.u32 s5, $0xA;
	s6 =	simm.s32 @!p0 $0x0;
	(pc) =	sbr.rel .LBB1_1-.Ltmp0, $4  }
0xb: {  	_ =	strace $0x8000004A;
	s7 =	sor.u32 s8, s7;
	s6 =	sadd.s32 s6, s5  }
0xc: {  	s7 =	sand.u32 $0x180, s7;
	s5 =	simm.s32 $0x1;
	s6 =	smul.u32 $0x64, s6  }
0xd: {  	s15 =	smov.u32 s3;
	s13 =	smov.u32 s7;
	[sflag:s5] =	ssyncpa.u1 $0x0  }
0xe: {  	p0 =	por $0x0, $0x0;
	[sflag:s31] =	ssyncpa.u1 $0x0;
	s8 =	sor.u32 $0x1, s6  }
.LBB1_4:
0xf: {  	s25 =	sshll.u32 s10, $0xA;
	s24 =	sshra.s32 s24, $0x2;
	s26 =	sshll.u32 s12, $0x3  }
0x10: {  	p1 =	sgt.s32 s11, $0x31;
	s27 =	smov.u32 s11;
	s28 =	sshra.s32 s11, $0x1F  }
0x11: {  	p2 =	sgt.s32 s12, $0x380;
	s31 =	sshra.s32 s12, $0x1F;
	s25 =	sand.u32 $0xFFFFE000, s25  }
0x12: {  	s26 =	sand.u32 $0xFFFFFC00, s26;
	s27 =	simm.s32 @!p1 $0x31;
	s28 =	sand.u32 s28, s11  }
0x13: {  	[tilespmem:s22+$0x2040 ss:$0x81] =	vst.msk $0xffff, v4;
	s23 =	sadd.s32 s24, s23;
	s29 =	sadd.s32 s26, s25;
	s25 =	ssub.s32 s27, s28  }
0x14: {  	[tilespmem:s22+$0x2850 ss:$0x81] =	vst.msk $0xffff, v3;
	s27 =	smov.u32 s12;
	s28 =	smov.u32 s10;
	s26 =	sand.u32 s31, s12  }
0x15: {  	[tilespmem:s22+$0x3060 ss:$0x81] =	vst.msk $0xffff, v2;
	s24 =	sshrl.u32 s29, $0xA;
	s30 =	sadd.s32 $0xFFFFFFCF, s25;
	s27 =	simm.s32 @!p2 $0x380  }
0x16: {  	v5 =	vld [tilespmem:s21+$0xFFFFFFD0];
	[tilespmem:s22+$0x0 ss:$0x81] =	vst.msk $0xffff, v1;
	p2 =	sgt.s32 s10, $0x368;
	s29 =	sshra.s32 s10, $0x1F;
	s22 =	ssub.s32 $0x32, s25  }
0x17: {  	v58 =	vld [tilespmem:s21+$0xFFFFFFE0];
	p1 =	sgt.s32 s30, $0x0;
	s28 =	simm.s32 @!p2 $0x368;
	s29 =	sand.u32 s29, s10  }
0x18: {  	v59 =	vld [tilespmem:s21+$0xFFFFFFF0];
	s26 =	ssub.s32 s27, s26;
	s27 =	smulhi.u32 $0x418938, s24;
	s28 =	ssub.s32 s28, s29  }
0x19: {  	v60 =	vld [tilespmem:s21+$0x0];
	s30 =	sadd.s32 $0xFFFFFC80, s26;
	s25 =	ssub.s32 $0x400, s26;
	s22 =	simm.s32 @p1 $0x0  }
0x1a: {  	v61 =	vld [tilespmem:s21+$0x10];
	[tilespmem:s23+$0x3870 ss:$0x81] =	vst.msk $0xffff, v0;
	s29 =	sand.u32 $0x78, s12;
	p2 =	sgt.s32 s30, $0x7F;
	s31 =	sadd.s32 $0xFFFFFC98, s28  }
0x1b: {  	v62 =	vld [tilespmem:s21+$0x20];
	[tilespmem:s23+$0x810 ss:$0x81] =	vst.msk $0xffff, v5;
	s27 =	smul.u32 $0x3E8, s27;
	s30 =	sshll.u32 s10, $0x7;
	s28 =	ssub.s32 $0x3E8, s28  }
0x1c: {  	v63 =	vld [tilespmem:s21+$0xFFFFFFC0];
	[tilespmem:s23+$0x1020 ss:$0x81] =	vst.msk $0xffff, v58;
	s25 =	simm.s32 @p2 $0x0;
	p1 =	sgt.s32 s31, $0x7F;
	s31 =	smul.u32 $0x1F400, s11  }
0x1d: {  	[tilespmem:s23+$0x1830 ss:$0x81] =	vst.msk $0xffff, v59;
	s21 =	sand.u32 $0x380, s30;
	s22 =	smul.u32 s25, s22;
	s28 =	simm.s32 @p1 $0x0  }
0x1e: {  	[tilespmem:s23+$0x2040 ss:$0x81] =	vst.msk $0xffff, v60;
	s21 =	sor.u32 s29, s21;
	s24 =	ssub.s32 s24, s27;
	s29 =	sand.u32 $0x7, s12  }
0x1f: {  	[tilespmem:s23+$0x2850 ss:$0x81] =	vst.msk $0xffff, v61;
	s21 =	sshrl.u32 s21, $0x3;
	s25 =	sadd.s32 s2, s31;
	s22 =	smul.u32 s28, s22  }
0x20: {  	[tilespmem:s23+$0x3060 ss:$0x81] =	vst.msk $0xffff, v62;
	s24 =	sshll.u32 s24, $0x7;
	s30 =	sshll.u32 s29, $0x12;
	s21 =	sadd.s32 s21, s25  }
0x21: {  	[tilespmem:s23+$0x0 ss:$0x81] =	vst.msk $0xffff, v63;
	s31 =	sor.u32 $0x400, s30;
	s21 =	sadd.s32 s24, s21;
	s22 =	sand.u32 $0x3FFFFFFF, s22  }
0x22: {  	[hbm4b:s21+s31] =	stream.strided.scatter [tilespmem:s20], [sflag:$0x2], s22, s9, s31, $0x20;
	[tilespmem:$0x10100] =	vst v63  }
.LBB1_5:
0x23: {  	p1 =	slt.u32 s16, $0x2  }
0x24: {  	p2 =	sgt.s32 @!p1 s19, $0x31  }
0x25: {  	s20 =	smov.u32 s19;
	s21 =	sshra.s32 @!p1 s19, $0x1F;
	p2 =	por !p2, p1  }
0x26: {  	s19 =	sand.u32 @!p1 s21, s19;
	s20 =	simm.s32 @p2 $0x31  }
0x27: {  	p3 =	sgt.s32 @!p1 s17, $0x368;
	s19 =	ssub.s32 @!p1 s20, s19  }
0x28: {  	p4 =	sgt.s32 @!p1 s18, $0x380;
	s22 =	sshra.s32 @!p1 s18, $0x1F;
	s20 =	sadd.s32 @!p1 $0xFFFFFFCF, s19  }
0x29: {  	s21 =	smov.u32 s17;
	p2 =	sgt.s32 @!p1 s20, $0x0;
	s20 =	sshra.s32 @!p1 s17, $0x1F  }
0x2a: {  	p4 =	por !p4, p1;
	s17 =	sand.u32 @!p1 s20, s17;
	s20 =	smov.u32 s18  }
0x2b: {  	p3 =	por !p3, p1;
	s18 =	sand.u32 @!p1 s22, s18;
	s20 =	simm.s32 @p4 $0x380  }
0x2c: {  	s21 =	simm.s32 @p3 $0x368;
	s19 =	ssub.s32 @!p1 $0x32, s19;
	s18 =	ssub.s32 @!p1 s20, s18  }
0x2d: {  	p2 =	por !p2, p1;
	s17 =	ssub.s32 @!p1 s21, s17;
	s21 =	sadd.s32 @!p1 $0xFFFFFC80, s18  }
0x2e: {  	s19 =	simm.s32 @!p2 $0x0;
	p3 =	sgt.s32 @!p1 s21, $0x7F  }
0x2f: {  	s20 =	sadd.s32 @!p1 $0xFFFFFC98, s17;
	s18 =	ssub.s32 @!p1 $0x400, s18;
	p3 =	por !p3, p1  }
0x30: {  	p2 =	sgt.s32 @!p1 s20, $0x7F;
	s20 =	sadd.s32 $0x200, s13;
	s18 =	simm.s32 @!p3 $0x0  }
0x31: {  	p3 =	sgt.s32 s20, $0x3E7;
	s18 =	smul.u32 @!p1 s18, s19;
	s19 =	simm.s32 $0x1  }
0x32: {  	s17 =	ssub.s32 @!p1 $0x3E8, s17;
	p2 =	por !p2, p1;
	s19 =	simm.s32 @!p3 $0x0  }
0x33: {  	s22 =	smov.u32 s15;
	s17 =	simm.s32 @!p2 $0x0;
	s21 =	sadd.s32 s19, s14  }
0x34: {  	s17 =	smul.u32 @!p1 s17, s18;
	s18 =	sadd.s32 $0x400, s15;
	p2 =	sgt.s32 s21, $0x31  }
0x35: {  	p0 =	por !p0, !p0;
	s23 =	simm.s32 @!p1 $0x2;
	s22 =	smov.u32 @p2 s18  }
0x36: {  	s20 =	smov.u32 @p3 s7;
	s21 =	simm.s32 @p2 $0x0;
	p2 =	sgt.s32 s22, $0x3FF  }
0x37: {  	s19 =	smov.u32 s11;
	s22 =	smov.u32 @p2 s3;
	p2 =	sne.s32 s16, s8  }
.Ltmp1:
0x38: {  	s11 =	smov.u32 s14;
	s17 =	sand.u32 @!p1 $0x3FFFFFFF, s17;
	(pc) =	sbr.rel @!p2 .LBB1_6-.Ltmp1, $4  }
0x39: {  	s18 =	smov.u32 s12;
	s12 =	smov.u32 s15;
	_ =	swait.ge @!p1 [sflag:s23], s17  }
0x3a: {  	s24 =	ssub.s32 @!p1 $0x0, s17;
	s17 =	smov.u32 s10;
	s10 =	smov.u32 s13  }
0x3b: {  	s13 =	smov.u32 s20;
	s14 =	smov.u32 s21;
	[sflag:s23] =	ssyncset.done @!p1 $0x0  }
0x3c: {  	s16 =	sadd.s32 $0x1, s16;
	[sflag:s23] =	ssyncadd.s32 @!p1 s24;
	s15 =	smov.u32 s22  }
.LBB1_1:
0x3d: {  	p1 =	sge.u32 s16, s6  }
0x3e: {  	s20 =	sshll.u32 @!p1 s14, $0xA  }
0x3f: {  	s21 =	sshll.u32 @!p1 s13, $0x3;
	s20 =	sand.u32 @!p1 $0xFFFFE000, s20  }
0x40: {  	s20 =	sadd.s32 @!p1 s20, s21  }
0x41: {  	s20 =	sshrl.u32 @!p1 s20, $0xA  }
0x42: {  	s21 =	smulhi.u32 @!p1 $0x4924925, s20  }
0x43: {  	s22 =	sshll.u32 @!p1 s14, $0x7;
	s24 =	smul.u32 @!p1 $0x1C00, s15  }
0x44: {  	s23 =	sand.u32 @!p1 $0x78, s13;
	s22 =	sand.u32 @!p1 $0x380, s22;
	s21 =	smul.u32 @!p1 $0x38, s21  }
0x45: {  	s31 =	sadd.s32 $0xFFFFFFFF, s16;
	s22 =	sor.u32 @!p1 s23, s22;
	s23 =	sadd.s32 @!p1 s4, s24  }
0x46: {  	s22 =	sshrl.u32 @!p1 s22, $0x3;
	s20 =	ssub.s32 @!p1 s20, s21;
	s21 =	sxor.u32 @!p1 $0xFFFFFFFF, s16  }
0x47: {  	s22 =	sadd.s32 @!p1 s22, s23;
	s23 =	sand.u32 @!p1 $0x7, s13;
	s21 =	sshll.u32 @!p1 s21, $0xE  }
0x48: {  	s23 =	sshll.u32 @!p1 s23, $0x12;
	s20 =	sshll.u32 @!p1 s20, $0x7;
	s21 =	sand.u32 @!p1 $0x4000, s21  }
0x49: {  	s20 =	sadd.s32 @!p1 s20, s22;
	s22 =	sor.u32 @!p1 $0x80, s23;
	s23 =	simm.s32 @!p1 $0xE000  }
0x4a: {  	[tilespmem:s21], [sflag:$0x1] =	stream.strided.gather @!p1 [hbm4b:s20+s22], $0x4000, s23, s22, $0x38;
	[tilespmem:$0x10100] =	vst v63  }
0x4b: {  	p1 =	sge.u32 s31, s6  }
.Ltmp2:
0x4c: {  	_ = 	snop;
	(pc) =	sbr.rel @p1 .LBB1_5-.Ltmp2, $1  }
0x4d: {  	_ =	sdelay $0x3  }
0x4e: {  	s20 =	simm.s32 $0x1  }
0x4f: {  	_ =	swait.ge [sflag:s5], $0x4000;
	s20 =	simm.s32 @!p0 $0x0  }
0x50: {  	[sflag:s5] =	ssyncset.done $0x0;
	s21 =	sshll.u32 s20, $0xE  }
0x51: {  	[sflag:s5] =	ssyncadd.s32 $0xFFFFC000;
	s21 =	sor.u32 $0x40, s21  }
0x52: {  	s20 =	smul.u32 $0x10200, s20;
	v0 =	vld [tilespmem:s21+$0x30]  }
0x53: {  	v1 =	vld [tilespmem:s21+$0xFFFFFFD0]  }
0x54: {  	s20 =	sshrl.u32 s20, $0x2;
	v5 =	vld [tilespmem:s21+$0xFFFFFFE0]  }
0x55: {  	v6 =	vld [tilespmem:s21+$0xFFFFFFF0];
	s23 =	sor.u32 $0x8000, s20  }
0x56: {  	s31 =	sand.u32 $0x1, s16;
	v4 =	vld [tilespmem:s21+$0x0];
	s22 =	sadd.s32 $0x0, s23  }
0x57: {  	v3 =	vld [tilespmem:s21+$0x10];
	s20 =	smul.u32 $0x10200, s31;
	[tilespmem:s22+$0x3870 ss:$0x81] =	vst.msk $0xffff, v0  }
0x58: {  	v2 =	vld [tilespmem:s21+$0x20];
	[tilespmem:s22+$0x810 ss:$0x81] =	vst.msk $0xffff, v1  }
0x59: {  	s20 =	sshrl.u32 s20, $0x2;
	v1 =	vld [tilespmem:s21+$0xFFFFFFC0];
	[tilespmem:s22+$0x1020 ss:$0x81] =	vst.msk $0xffff, v5;
	s21 =	sadd.s32 $0x80, s21  }
0x5a: {  	s24 =	simm.s32 $0x4;
	s25 =	simm.s32 $0x8;
	s20 =	sor.u32 $0x8000, s20;
	[tilespmem:s22+$0x1830 ss:$0x81] =	vst.msk $0xffff, v6;
	v0 =	vld [tilespmem:s21+$0x30]  }
.LBB1_3:
0x5b: {  	p1 =	sne.s32 s25, $0x1FC;
	v5 =	vld [tilespmem:s21+$0xFFFFFFD0];
	[tilespmem:s22+$0x2040 ss:$0x81] =	vst.msk $0xffff, v4  }
0x5c: {  	v6 =	vld [tilespmem:s21+$0xFFFFFFE0];
	[tilespmem:s22+$0x2850 ss:$0x81] =	vst.msk $0xffff, v3  }
0x5d: {  	s26 =	sshra.s32 s24, $0x2;
	s24 =	smov.u32 s25;
	v7 =	vld [tilespmem:s21+$0xFFFFFFF0];
	[tilespmem:s22+$0x3060 ss:$0x81] =	vst.msk $0xffff, v2  }
.Ltmp3:
0x5e: {  	v4 =	vld [tilespmem:s21+$0x0];
	[tilespmem:s22+$0x0 ss:$0x81] =	vst.msk $0xffff, v1;
	s22 =	sadd.s32 s26, s23;
	(pc) =	sbr.rel @p1 .LBB1_3-.Ltmp3, $4  }
0x5f: {  	v3 =	vld [tilespmem:s21+$0x10];
	[tilespmem:s22+$0x3870 ss:$0x81] =	vst.msk $0xffff, v0  }
0x60: {  	[tilespmem:s22+$0x810 ss:$0x81] =	vst.msk $0xffff, v5;
	v2 =	vld [tilespmem:s21+$0x20]  }
0x61: {  	v1 =	vld [tilespmem:s21+$0xFFFFFFC0];
	[tilespmem:s22+$0x1020 ss:$0x81] =	vst.msk $0xffff, v6;
	s21 =	sadd.s32 $0x80, s21  }
0x62: {  	s25 =	sadd.s32 $0x4, s25;
	v0 =	vld [tilespmem:s21+$0x30];
	[tilespmem:s22+$0x1830 ss:$0x81] =	vst.msk $0xffff, v7  }
.Ltmp4:
0x63: {  	_ = 	snop;
	(pc) =	sbr.rel .LBB1_4-.Ltmp4, $1  }
0x64: {  	_ =	sdelay $0x3  }
.LBB1_6:
0x65: {  	_ =	sfence.sel $0x180000  }
0x66: {  	s2 =	simm.s32 $0x1;
	[bflag:$0x0] =	sbarrier.arrive $0xFFFF  }
0x67: {  	s31 =	simm.s32 $0x2;
	[sflag:s2] =	ssyncpa.u1 $0x1  }
0x68: {  	[sflag:s31] =	ssyncpa.u1 $0x1  }
0x69: {  	p0 =	sne.s32 s0, $0x0;
	_ =	strace $0x9000004A  }
0x6a: {  	s0 =	sadd.s32 @!p0 $0x100000, s1;
	[bflag:$0x2] =	sbarrier.arrive $0xFFFF  }
0x6b: {  	[sflag:s0] =	ssyncadd.tile.s32 @!p0 $0x1;
	_ =	shalt  }
.Lfunc_end1:
_tile_overlayer_lowered:
.L_overlay_start_2:
0x6c: {  	(tag) =	ssettag $0x2  }
0x6d: {  	s0 =	rddreg [dreg:$0x0];
	s2 =	stileid.u32  }
0x6e: {  	s1 =	rddreg [dreg:$0x1];
	p0 =	sne.s32 s2, $0x0  }
0x6f: {  	s3 =	rddreg [dreg:$0x2];
	[bflag:$0x3] =	sbarrier.arrive $0xFFFF;
	s2 =	simm.s32 @!p0 $0x1C01  }
0x70: {  	[timem:s3], [sflag:s2] =	dma.local @!p0 [hbm:s0], s1  }
0x71: {  	s0 =	simm.s32 @!p0 $0x1  }
0x72: {  	_ =	swait.ge @!p0 [sflag:s0], s1  }
0x73: {  	s1 =	ssub.s32 @!p0 $0x0, s1;
	[sflag:s0] =	ssyncset.done @!p0 $0x0  }
0x74: {  	[sflag:s0] =	ssyncadd.s32 @!p0 s1  }
0x75: {  	[bflag:$0x3] =	sbarrier.arrive $0xFFFF  }
0x76: {  	_ =	shalt  }

</sc_bundles>
